<compile_context>
chip_gen: v7x
topology: tpu7x:2x2x1
jax: 0.10.2.dev20260603
libtpu: 0.0.44.dev20260713+nightly
codegen_flags: <defaults>
</compile_context>

<pallas_src>
import functools

import jax
import jax.numpy as jnp
from jax import lax
from jax.experimental import pallas as pl
from jax.experimental.pallas import tpu as pltpu
from jax.experimental.pallas import tpu_sc as plsc

N = 10000
D = 128
H = 64
NC = 2
NS = 16
L = 16
NW = NC * NS
CHUNK = 128
STRIPE = 632
AGG_ROWS = NS * STRIPE
BR = 2000


def _relu(v):
    return jnp.maximum(v, 0.0)


def _dot(a, b):
    return jnp.dot(a, b, preferred_element_type=jnp.float32)


def _pre_body(x_ref, w1, b1, w2, b2, w3, b3, wl, bl, h_ref, t_ref):
    h = _relu(_dot(x_ref[...], w1[...]) + b1[...])
    h = _relu(_dot(h, w2[...]) + b2[...])
    h = _relu(_dot(h, w3[...]) + b3[...])
    h_ref[...] = h
    t_ref[...] = _relu(_dot(h, wl[...]) + bl[...])


def _pre_call(x, W1, b1, W2, b2, W3, b3, Wl, bl):
    grid = (N // BR,)
    row_blk = lambda r, c: pl.BlockSpec((r, c), lambda i: (i, 0))
    full = lambda r, c: pl.BlockSpec((r, c), lambda i: (0, 0))
    return pl.pallas_call(
        _pre_body,
        grid=grid,
        in_specs=[
            row_blk(BR, D),
            full(D, H), full(1, H),
            full(H, H), full(1, H),
            full(H, H), full(1, H),
            full(H, H), full(1, H),
        ],
        out_specs=[
            pl.BlockSpec((BR, H), lambda i: (i, 0)),
            pl.BlockSpec((BR, H), lambda i: (i, 0)),
        ],
        out_shape=[
            jax.ShapeDtypeStruct((N, H), jnp.float32),
            jax.ShapeDtypeStruct((N, H), jnp.float32),
        ],
    )(x, W1, b1.reshape(1, H), W2, b2.reshape(1, H), W3, b3.reshape(1, H),
      Wl, bl.reshape(1, H))


def _sc_agg_body(t_hbm, src_hbm, dst_hbm, zeros_hbm, out_hbm,
                 src_v, dst_v, rows_v, zbuf_v, t_sh, agg_sh):
    kch = src_v.shape[0]
    cid = lax.axis_index("c")
    sid = lax.axis_index("s")
    wid = sid * NC + cid

    pltpu.sync_copy(zeros_hbm, zbuf_v)
    base = pl.multiple_of(sid * STRIPE, 8)
    nfull = STRIPE // CHUNK
    for k in range(nfull):
        pltpu.sync_copy(zbuf_v, agg_sh.at[pl.ds(base + k * CHUNK, CHUNK)])
    rem = STRIPE - nfull * CHUNK
    if rem:
        pltpu.sync_copy(zbuf_v.at[pl.ds(0, rem)],
                        agg_sh.at[pl.ds(base + nfull * CHUNK, rem)])

    t_base = pl.multiple_of(jnp.minimum(base, N - STRIPE), 8)
    pltpu.sync_copy(t_hbm.at[pl.ds(t_base, STRIPE)],
                    t_sh.at[pl.ds(t_base, STRIPE)])

    pltpu.sync_copy(src_hbm.at[wid], src_v)
    pltpu.sync_copy(dst_hbm.at[wid], dst_v)
    plsc.subcore_barrier()

    def chunk_body(c, carry):
        pltpu.sync_copy(t_sh.at[src_v.at[c]], rows_v)
        pltpu.sync_copy(rows_v, agg_sh.at[dst_v.at[c]], add=True)
        return carry

    lax.fori_loop(0, kch, chunk_body, 0)
    plsc.subcore_barrier()

    out_base = pl.multiple_of(jnp.minimum(base, N - STRIPE), 8)
    pltpu.sync_copy(agg_sh.at[pl.ds(out_base, STRIPE)],
                    out_hbm.at[cid, pl.ds(out_base, STRIPE)])


def _sc_agg_call(t, srcb, dstb, zeros_blk):
    kch = srcb.shape[1]
    mesh = plsc.VectorSubcoreMesh(core_axis_name="c", subcore_axis_name="s",
                                  num_cores=NC, num_subcores=NS)
    fn = functools.partial(
        pl.kernel,
        out_type=jax.ShapeDtypeStruct((NC, N, H), jnp.float32),
        mesh=mesh,
        scratch_types=[
            pltpu.VMEM((kch, CHUNK), jnp.int32),
            pltpu.VMEM((kch, CHUNK), jnp.int32),
            pltpu.VMEM((CHUNK, H), jnp.float32),
            pltpu.VMEM((CHUNK, H), jnp.float32),
            pltpu.VMEM_SHARED((AGG_ROWS, H), jnp.float32),
            pltpu.VMEM_SHARED((AGG_ROWS, H), jnp.float32),
        ],
        compiler_params=pltpu.CompilerParams(use_tc_tiling_on_sc=False),
    )(_sc_agg_body)
    return fn(t, srcb, dstb, zeros_blk)


def _post_body(h_ref, agg_ref, p1, pb1, p2, pb2, p3, pb3, o_ref):
    a = agg_ref[0] + agg_ref[1]
    cat = jnp.concatenate([h_ref[...], a], axis=1)
    u = _relu(_dot(cat, p1[...]) + pb1[...])
    u = _relu(_dot(u, p2[...]) + pb2[...])
    o_ref[...] = _relu(_dot(u, p3[...]) + pb3[...])


def _post_call(h_pre, agg2, P1, pb1, P2, pb2, P3, pb3):
    grid = (N // BR,)
    full = lambda r, c: pl.BlockSpec((r, c), lambda i: (0, 0))
    return pl.pallas_call(
        _post_body,
        grid=grid,
        in_specs=[
            pl.BlockSpec((BR, H), lambda i: (i, 0)),
            pl.BlockSpec((NC, BR, H), lambda i: (0, i, 0)),
            full(2 * H, H), full(1, H),
            full(H, H), full(1, H),
            full(H, D), full(1, D),
        ],
        out_specs=pl.BlockSpec((BR, D), lambda i: (i, 0)),
        out_shape=jax.ShapeDtypeStruct((N, D), jnp.float32),
    )(h_pre, agg2, P1, pb1.reshape(1, H), P2, pb2.reshape(1, H),
      P3, pb3.reshape(1, D))


def kernel(x, edge_index, W1, b1, W2, b2, W3, b3, Wl, bl,
           P1, pb1, P2, pb2, P3, pb3):
    E = edge_index.shape[1]
    kch = -(-E // (NW * CHUNK))
    pad_e = NW * CHUNK * kch - E
    src = edge_index[0].astype(jnp.int32)
    dst = edge_index[1].astype(jnp.int32)
    src = jnp.concatenate([src, jnp.zeros((pad_e,), jnp.int32)])
    dst = jnp.concatenate([dst, jnp.full((pad_e,), N, jnp.int32)])
    srcb = src.reshape(NW, kch, CHUNK)
    dstb = dst.reshape(NW, kch, CHUNK)
    zeros_blk = jnp.zeros((CHUNK, H), jnp.float32)

    h_pre, t = _pre_call(x, W1, b1, W2, b2, W3, b3, Wl, bl)
    agg2 = _sc_agg_call(t, srcb, dstb, zeros_blk)
    return _post_call(h_pre, agg2, P1, pb1, P2, pb2, P3, pb3)

# --- scband reference (transcript-rebuilt; emitter-appended) ---
"""Pipeline reference for scband-gnncasimple-22179211117295 (READ-ONLY COPY).

The authoritative reference and input builder live on the scoring server;
editing this copy changes nothing except your own understanding.
"""

import jax, jax.numpy as jnp
import numpy as np

N = 10000
E = 320000
D = 128
H = 64


def _init_linear(key, fan_in, fan_out):
    k1, k2 = jax.random.split(key)
    bound = 1.0 / np.sqrt(fan_in)
    W = jax.random.uniform(k1, (fan_in, fan_out), minval=-bound, maxval=bound, dtype=jnp.float32)
    b = jax.random.uniform(k2, (fan_out,), minval=-bound, maxval=bound, dtype=jnp.float32)
    return W, b


def setup_inputs(seed: int = 0) -> dict:
    key = jax.random.key(seed)
    ks = jax.random.split(key, 10)
    x = jax.random.normal(ks[0], (N, D), dtype=jnp.float32)
    edge_index = jax.random.randint(ks[1], (2, E), 0, N, dtype=jnp.int64)
    W1, b1 = _init_linear(ks[2], D, H)
    W2, b2 = _init_linear(ks[3], H, H)
    W3, b3 = _init_linear(ks[4], H, H)
    Wl, bl = _init_linear(ks[5], H, H)
    P1, pb1 = _init_linear(ks[6], 2 * H, H)
    P2, pb2 = _init_linear(ks[7], H, H)
    P3, pb3 = _init_linear(ks[8], H, D)
    return {"x": x, "edge_index": edge_index, "W1": W1, "b1": b1, "W2": W2, "b2": b2, "W3": W3, "b3": b3, "Wl": Wl, "bl": bl, "P1": P1, "pb1": pb1, "P2": P2, "pb2": pb2, "P3": P3, "pb3": pb3}


def reference(x, edge_index, W1, b1, W2, b2, W3, b3, Wl, bl, P1, pb1, P2, pb2, P3, pb3):
    def mlp_pre(h):
        h = jax.nn.relu(h @ W1 + b1)
        h = jax.nn.relu(h @ W2 + b2)
        h = jax.nn.relu(h @ W3 + b3)
        return h

    # node-side branch
    h_pre = mlp_pre(x)
    # message: gather source node features per edge, then per-edge MLP
    src = edge_index[0]
    dst = edge_index[1]
    x_j = jnp.take(x, src, axis=0)
    msg = jax.nn.relu(mlp_pre(x_j) @ Wl + bl)
    # aggregate='add' scatter-add to destination nodes
    agg = jax.ops.segment_sum(msg, dst, num_segments=x.shape[0])
    # mlp_post on concatenation
    cat = jnp.concatenate([h_pre, agg], axis=1)
    out = jax.nn.relu(cat @ P1 + pb1)
    out = jax.nn.relu(out @ P2 + pb2)
    out = out @ P3 + pb3  # last_activation=False
    # GNNCASimple: activation=F.relu after message passing (iterations=1, no bn, no hardmax)
    out = jax.nn.relu(out)
    return out

if __name__ == "__main__":
    import jax
    _d = setup_inputs()
    print(jax.jit(kernel)(*tuple(_d.values())))

</pallas_src>

<mosaic_0001>
#map = affine_map<(d0, d1) -> (0, 0)>
#map1 = affine_map<(d0, d1) -> (0, 0, 0)>
module attributes {stable_mosaic.version = 14 : i64} {
  func.func @_sc_agg_body(%arg0: i32, %arg1: i32, %arg2: memref<10000x64xf32, #tpu.memory_space<hbm>>, %arg3: memref<32x79x128xi32, #tpu.memory_space<hbm>>, %arg4: memref<32x79x128xi32, #tpu.memory_space<hbm>>, %arg5: memref<128x64xf32, #tpu.memory_space<hbm>>, %arg6: memref<2x10000x64xf32, #tpu.memory_space<hbm>>, %arg7: memref<79x128xi32, #tpu.memory_space<vmem>>, %arg8: memref<79x128xi32, #tpu.memory_space<vmem>>, %arg9: memref<128x64xf32, #tpu.memory_space<vmem>>, %arg10: memref<128x64xf32, #tpu.memory_space<vmem>>, %arg11: memref<10112x64xf32, #tpu.memory_space<vmem_shared>>, %arg12: memref<10112x64xf32, #tpu.memory_space<vmem_shared>>) attributes {dimension_semantics = [#tpu.dimension_semantics<core_parallel>, #tpu.dimension_semantics<subcore_parallel>], iteration_bounds = array<i64: 2, 16>, scalar_prefetch = 0 : i64, scratch_operands = 6 : i64, tpu.core_type = #tpu.core_type<sc_vector_subcore>, window_params = [{transform_indices = #map}, {transform_indices = #map1}, {transform_indices = #map1}, {transform_indices = #map}, {transform_indices = #map1}]} {
    %mul3A = arith.constant 2 : i32
    %mul3A_0 = arith.muli %arg1, %mul3A : i32
    %add3A = arith.addi %mul3A_0, %arg0 : i32
    "tpu.region"() ({
      %run_scoped3A = tpu.sem_alloc : memref<!tpu.dma_semaphore, #tpu.memory_space<semaphore_mem>>
      tpu.enqueue_dma source(%arg5 : memref<128x64xf32, #tpu.memory_space<hbm>>) target(%arg10 : memref<128x64xf32, #tpu.memory_space<vmem>>) target_semaphore(%run_scoped3A : memref<!tpu.dma_semaphore, #tpu.memory_space<semaphore_mem>>)
      tpu.wait_dma2 semaphore(%run_scoped3A : memref<!tpu.dma_semaphore, #tpu.memory_space<semaphore_mem>>) src(%arg5 : memref<128x64xf32, #tpu.memory_space<hbm>>) dst(%arg10 : memref<128x64xf32, #tpu.memory_space<vmem>>)
      tpu.yield
    }) : () -> ()
    %mul3A_1 = arith.constant 632 : i32
    %mul3A_2 = arith.muli %arg1, %mul3A_1 : i32
    %multiple_of3A = tpu.assume_multiple %mul3A_2, 8 : i32
    %add3A_3 = arith.constant 0 : i32
    %add3A_4 = arith.addi %multiple_of3A, %add3A_3 : i32
    "tpu.region"() ({
      %run_scoped3A = tpu.sem_alloc : memref<!tpu.dma_semaphore, #tpu.memory_space<semaphore_mem>>
      %dma_start3A = arith.constant 0 : i32
      %dma_start3A_24 = tpu.memref_slice %arg12[%add3A_4, %dma_start3A] : memref<10112x64xf32, #tpu.memory_space<vmem_shared>> -> memref<128x64xf32, #tpu.memory_space<vmem_shared>>
      %dma_start3A_25 = arith.constant 0 : i32
      %dma_start3A_26 = tpu.memref_slice %arg12[%add3A_4, %dma_start3A_25] : memref<10112x64xf32, #tpu.memory_space<vmem_shared>> -> memref<128x64xf32, #tpu.memory_space<vmem_shared>>
      tpu.enqueue_dma source(%arg10 : memref<128x64xf32, #tpu.memory_space<vmem>>) target(%dma_start3A_26 : memref<128x64xf32, #tpu.memory_space<vmem_shared>>) target_semaphore(%run_scoped3A : memref<!tpu.dma_semaphore, #tpu.memory_space<semaphore_mem>>)
      %dma_wait3A = arith.constant 0 : i32
      %dma_wait3A_27 = tpu.memref_slice %arg12[%add3A_4, %dma_wait3A] : memref<10112x64xf32, #tpu.memory_space<vmem_shared>> -> memref<128x64xf32, #tpu.memory_space<vmem_shared>>
      %dma_wait3A_28 = arith.constant 0 : i32
      %dma_wait3A_29 = tpu.memref_slice %arg12[%add3A_4, %dma_wait3A_28] : memref<10112x64xf32, #tpu.memory_space<vmem_shared>> -> memref<128x64xf32, #tpu.memory_space<vmem_shared>>
      tpu.wait_dma2 semaphore(%run_scoped3A : memref<!tpu.dma_semaphore, #tpu.memory_space<semaphore_mem>>) src(%arg10 : memref<128x64xf32, #tpu.memory_space<vmem>>) dst(%dma_wait3A_29 : memref<128x64xf32, #tpu.memory_space<vmem_shared>>)
      tpu.yield
    }) : () -> ()
    %add3A_5 = arith.constant 128 : i32
    %add3A_6 = arith.addi %multiple_of3A, %add3A_5 : i32
    "tpu.region"() ({
      %run_scoped3A = tpu.sem_alloc : memref<!tpu.dma_semaphore, #tpu.memory_space<semaphore_mem>>
      %dma_start3A = arith.constant 0 : i32
      %dma_start3A_24 = tpu.memref_slice %arg12[%add3A_6, %dma_start3A] : memref<10112x64xf32, #tpu.memory_space<vmem_shared>> -> memref<128x64xf32, #tpu.memory_space<vmem_shared>>
      %dma_start3A_25 = arith.constant 0 : i32
      %dma_start3A_26 = tpu.memref_slice %arg12[%add3A_6, %dma_start3A_25] : memref<10112x64xf32, #tpu.memory_space<vmem_shared>> -> memref<128x64xf32, #tpu.memory_space<vmem_shared>>
      tpu.enqueue_dma source(%arg10 : memref<128x64xf32, #tpu.memory_space<vmem>>) target(%dma_start3A_26 : memref<128x64xf32, #tpu.memory_space<vmem_shared>>) target_semaphore(%run_scoped3A : memref<!tpu.dma_semaphore, #tpu.memory_space<semaphore_mem>>)
      %dma_wait3A = arith.constant 0 : i32
      %dma_wait3A_27 = tpu.memref_slice %arg12[%add3A_6, %dma_wait3A] : memref<10112x64xf32, #tpu.memory_space<vmem_shared>> -> memref<128x64xf32, #tpu.memory_space<vmem_shared>>
      %dma_wait3A_28 = arith.constant 0 : i32
      %dma_wait3A_29 = tpu.memref_slice %arg12[%add3A_6, %dma_wait3A_28] : memref<10112x64xf32, #tpu.memory_space<vmem_shared>> -> memref<128x64xf32, #tpu.memory_space<vmem_shared>>
      tpu.wait_dma2 semaphore(%run_scoped3A : memref<!tpu.dma_semaphore, #tpu.memory_space<semaphore_mem>>) src(%arg10 : memref<128x64xf32, #tpu.memory_space<vmem>>) dst(%dma_wait3A_29 : memref<128x64xf32, #tpu.memory_space<vmem_shared>>)
      tpu.yield
    }) : () -> ()
    %add3A_7 = arith.constant 256 : i32
    %add3A_8 = arith.addi %multiple_of3A, %add3A_7 : i32
    "tpu.region"() ({
      %run_scoped3A = tpu.sem_alloc : memref<!tpu.dma_semaphore, #tpu.memory_space<semaphore_mem>>
      %dma_start3A = arith.constant 0 : i32
      %dma_start3A_24 = tpu.memref_slice %arg12[%add3A_8, %dma_start3A] : memref<10112x64xf32, #tpu.memory_space<vmem_shared>> -> memref<128x64xf32, #tpu.memory_space<vmem_shared>>
      %dma_start3A_25 = arith.constant 0 : i32
      %dma_start3A_26 = tpu.memref_slice %arg12[%add3A_8, %dma_start3A_25] : memref<10112x64xf32, #tpu.memory_space<vmem_shared>> -> memref<128x64xf32, #tpu.memory_space<vmem_shared>>
      tpu.enqueue_dma source(%arg10 : memref<128x64xf32, #tpu.memory_space<vmem>>) target(%dma_start3A_26 : memref<128x64xf32, #tpu.memory_space<vmem_shared>>) target_semaphore(%run_scoped3A : memref<!tpu.dma_semaphore, #tpu.memory_space<semaphore_mem>>)
      %dma_wait3A = arith.constant 0 : i32
      %dma_wait3A_27 = tpu.memref_slice %arg12[%add3A_8, %dma_wait3A] : memref<10112x64xf32, #tpu.memory_space<vmem_shared>> -> memref<128x64xf32, #tpu.memory_space<vmem_shared>>
      %dma_wait3A_28 = arith.constant 0 : i32
      %dma_wait3A_29 = tpu.memref_slice %arg12[%add3A_8, %dma_wait3A_28] : memref<10112x64xf32, #tpu.memory_space<vmem_shared>> -> memref<128x64xf32, #tpu.memory_space<vmem_shared>>
      tpu.wait_dma2 semaphore(%run_scoped3A : memref<!tpu.dma_semaphore, #tpu.memory_space<semaphore_mem>>) src(%arg10 : memref<128x64xf32, #tpu.memory_space<vmem>>) dst(%dma_wait3A_29 : memref<128x64xf32, #tpu.memory_space<vmem_shared>>)
      tpu.yield
    }) : () -> ()
    %add3A_9 = arith.constant 384 : i32
    %add3A_10 = arith.addi %multiple_of3A, %add3A_9 : i32
    "tpu.region"() ({
      %run_scoped3A = tpu.sem_alloc : memref<!tpu.dma_semaphore, #tpu.memory_space<semaphore_mem>>
      %dma_start3A = arith.constant 0 : i32
      %dma_start3A_24 = tpu.memref_slice %arg12[%add3A_10, %dma_start3A] : memref<10112x64xf32, #tpu.memory_space<vmem_shared>> -> memref<128x64xf32, #tpu.memory_space<vmem_shared>>
      %dma_start3A_25 = arith.constant 0 : i32
      %dma_start3A_26 = tpu.memref_slice %arg12[%add3A_10, %dma_start3A_25] : memref<10112x64xf32, #tpu.memory_space<vmem_shared>> -> memref<128x64xf32, #tpu.memory_space<vmem_shared>>
      tpu.enqueue_dma source(%arg10 : memref<128x64xf32, #tpu.memory_space<vmem>>) target(%dma_start3A_26 : memref<128x64xf32, #tpu.memory_space<vmem_shared>>) target_semaphore(%run_scoped3A : memref<!tpu.dma_semaphore, #tpu.memory_space<semaphore_mem>>)
      %dma_wait3A = arith.constant 0 : i32
      %dma_wait3A_27 = tpu.memref_slice %arg12[%add3A_10, %dma_wait3A] : memref<10112x64xf32, #tpu.memory_space<vmem_shared>> -> memref<128x64xf32, #tpu.memory_space<vmem_shared>>
      %dma_wait3A_28 = arith.constant 0 : i32
      %dma_wait3A_29 = tpu.memref_slice %arg12[%add3A_10, %dma_wait3A_28] : memref<10112x64xf32, #tpu.memory_space<vmem_shared>> -> memref<128x64xf32, #tpu.memory_space<vmem_shared>>
      tpu.wait_dma2 semaphore(%run_scoped3A : memref<!tpu.dma_semaphore, #tpu.memory_space<semaphore_mem>>) src(%arg10 : memref<128x64xf32, #tpu.memory_space<vmem>>) dst(%dma_wait3A_29 : memref<128x64xf32, #tpu.memory_space<vmem_shared>>)
      tpu.yield
    }) : () -> ()
    %add3A_11 = arith.constant 512 : i32
    %add3A_12 = arith.addi %multiple_of3A, %add3A_11 : i32
    "tpu.region"() ({
      %run_scoped3A = tpu.sem_alloc : memref<!tpu.dma_semaphore, #tpu.memory_space<semaphore_mem>>
      %dma_start3A = arith.constant 0 : i32
      %dma_start3A_24 = arith.constant 0 : i32
      %dma_start3A_25 = tpu.memref_slice %arg10[%dma_start3A, %dma_start3A_24] : memref<128x64xf32, #tpu.memory_space<vmem>> -> memref<120x64xf32, #tpu.memory_space<vmem>>
      %dma_start3A_26 = arith.constant 0 : i32
      %dma_start3A_27 = tpu.memref_slice %arg12[%add3A_12, %dma_start3A_26] : memref<10112x64xf32, #tpu.memory_space<vmem_shared>> -> memref<120x64xf32, #tpu.memory_space<vmem_shared>>
      %dma_start3A_28 = arith.constant 0 : i32
      %dma_start3A_29 = tpu.memref_slice %arg12[%add3A_12, %dma_start3A_28] : memref<10112x64xf32, #tpu.memory_space<vmem_shared>> -> memref<120x64xf32, #tpu.memory_space<vmem_shared>>
      %dma_start3A_30 = arith.constant 0 : i32
      %dma_start3A_31 = arith.constant 0 : i32
      %dma_start3A_32 = tpu.memref_slice %arg10[%dma_start3A_30, %dma_start3A_31] : memref<128x64xf32, #tpu.memory_space<vmem>> -> memref<120x64xf32, #tpu.memory_space<vmem>>
      tpu.enqueue_dma source(%dma_start3A_32 : memref<120x64xf32, #tpu.memory_space<vmem>>) target(%dma_start3A_29 : memref<120x64xf32, #tpu.memory_space<vmem_shared>>) target_semaphore(%run_scoped3A : memref<!tpu.dma_semaphore, #tpu.memory_space<semaphore_mem>>)
      %dma_wait3A = arith.constant 0 : i32
      %dma_wait3A_33 = arith.constant 0 : i32
      %dma_wait3A_34 = tpu.memref_slice %arg10[%dma_wait3A, %dma_wait3A_33] : memref<128x64xf32, #tpu.memory_space<vmem>> -> memref<120x64xf32, #tpu.memory_space<vmem>>
      %dma_wait3A_35 = arith.constant 0 : i32
      %dma_wait3A_36 = tpu.memref_slice %arg12[%add3A_12, %dma_wait3A_35] : memref<10112x64xf32, #tpu.memory_space<vmem_shared>> -> memref<120x64xf32, #tpu.memory_space<vmem_shared>>
      %dma_wait3A_37 = arith.constant 0 : i32
      %dma_wait3A_38 = tpu.memref_slice %arg12[%add3A_12, %dma_wait3A_37] : memref<10112x64xf32, #tpu.memory_space<vmem_shared>> -> memref<120x64xf32, #tpu.memory_space<vmem_shared>>
      %dma_wait3A_39 = arith.constant 0 : i32
      %dma_wait3A_40 = arith.constant 0 : i32
      %dma_wait3A_41 = tpu.memref_slice %arg10[%dma_wait3A_39, %dma_wait3A_40] : memref<128x64xf32, #tpu.memory_space<vmem>> -> memref<120x64xf32, #tpu.memory_space<vmem>>
      tpu.wait_dma2 semaphore(%run_scoped3A : memref<!tpu.dma_semaphore, #tpu.memory_space<semaphore_mem>>) src(%dma_wait3A_41 : memref<120x64xf32, #tpu.memory_space<vmem>>) dst(%dma_wait3A_38 : memref<120x64xf32, #tpu.memory_space<vmem_shared>>)
      tpu.yield
    }) : () -> ()
    %min3A = arith.constant 9368 : i32
    %min3A_13 = arith.minsi %multiple_of3A, %min3A : i32
    %multiple_of3A_14 = tpu.assume_multiple %min3A_13, 8 : i32
    "tpu.region"() ({
      %run_scoped3A = tpu.sem_alloc : memref<!tpu.dma_semaphore, #tpu.memory_space<semaphore_mem>>
      %dma_start3A = arith.constant 0 : i32
      %dma_start3A_24 = tpu.memref_slice %arg11[%multiple_of3A_14, %dma_start3A] : memref<10112x64xf32, #tpu.memory_space<vmem_shared>> -> memref<632x64xf32, #tpu.memory_space<vmem_shared>>
      %dma_start3A_25 = arith.constant 0 : i32
      %dma_start3A_26 = tpu.memref_slice %arg2[%multiple_of3A_14, %dma_start3A_25] : memref<10000x64xf32, #tpu.memory_space<hbm>> -> memref<632x64xf32, #tpu.memory_space<hbm>>
      tpu.enqueue_dma source(%dma_start3A_26 : memref<632x64xf32, #tpu.memory_space<hbm>>) target(%dma_start3A_24 : memref<632x64xf32, #tpu.memory_space<vmem_shared>>) target_semaphore(%run_scoped3A : memref<!tpu.dma_semaphore, #tpu.memory_space<semaphore_mem>>)
      %dma_wait3A = arith.constant 0 : i32
      %dma_wait3A_27 = tpu.memref_slice %arg11[%multiple_of3A_14, %dma_wait3A] : memref<10112x64xf32, #tpu.memory_space<vmem_shared>> -> memref<632x64xf32, #tpu.memory_space<vmem_shared>>
      %dma_wait3A_28 = arith.constant 0 : i32
      %dma_wait3A_29 = tpu.memref_slice %arg2[%multiple_of3A_14, %dma_wait3A_28] : memref<10000x64xf32, #tpu.memory_space<hbm>> -> memref<632x64xf32, #tpu.memory_space<hbm>>
      tpu.wait_dma2 semaphore(%run_scoped3A : memref<!tpu.dma_semaphore, #tpu.memory_space<semaphore_mem>>) src(%dma_wait3A_29 : memref<632x64xf32, #tpu.memory_space<hbm>>) dst(%dma_wait3A_27 : memref<632x64xf32, #tpu.memory_space<vmem_shared>>)
      tpu.yield
    }) : () -> ()
    "tpu.region"() ({
      %run_scoped3A = tpu.sem_alloc : memref<!tpu.dma_semaphore, #tpu.memory_space<semaphore_mem>>
      %dma_start3A = arith.constant 0 : i32
      %dma_start3A_24 = arith.constant 0 : i32
      %dma_start3A_25 = tpu.memref_slice %arg3[%add3A, %dma_start3A, %dma_start3A_24] : memref<32x79x128xi32, #tpu.memory_space<hbm>> -> memref<1x79x128xi32, #tpu.memory_space<hbm>>
      %dma_start3A_26 = tpu.memref_squeeze %dma_start3A_25 : memref<1x79x128xi32, #tpu.memory_space<hbm>> -> memref<79x128xi32, #tpu.memory_space<hbm>>
      %dma_start3A_27 = arith.constant 0 : i32
      %dma_start3A_28 = arith.constant 0 : i32
      %dma_start3A_29 = tpu.memref_slice %arg3[%add3A, %dma_start3A_27, %dma_start3A_28] : memref<32x79x128xi32, #tpu.memory_space<hbm>> -> memref<1x79x128xi32, #tpu.memory_space<hbm>>
      %dma_start3A_30 = tpu.memref_squeeze %dma_start3A_29 : memref<1x79x128xi32, #tpu.memory_space<hbm>> -> memref<79x128xi32, #tpu.memory_space<hbm>>
      tpu.enqueue_dma source(%dma_start3A_30 : memref<79x128xi32, #tpu.memory_space<hbm>>) target(%arg7 : memref<79x128xi32, #tpu.memory_space<vmem>>) target_semaphore(%run_scoped3A : memref<!tpu.dma_semaphore, #tpu.memory_space<semaphore_mem>>)
      %dma_wait3A = arith.constant 0 : i32
      %dma_wait3A_31 = arith.constant 0 : i32
      %dma_wait3A_32 = tpu.memref_slice %arg3[%add3A, %dma_wait3A, %dma_wait3A_31] : memref<32x79x128xi32, #tpu.memory_space<hbm>> -> memref<1x79x128xi32, #tpu.memory_space<hbm>>
      %dma_wait3A_33 = tpu.memref_squeeze %dma_wait3A_32 : memref<1x79x128xi32, #tpu.memory_space<hbm>> -> memref<79x128xi32, #tpu.memory_space<hbm>>
      %dma_wait3A_34 = arith.constant 0 : i32
      %dma_wait3A_35 = arith.constant 0 : i32
      %dma_wait3A_36 = tpu.memref_slice %arg3[%add3A, %dma_wait3A_34, %dma_wait3A_35] : memref<32x79x128xi32, #tpu.memory_space<hbm>> -> memref<1x79x128xi32, #tpu.memory_space<hbm>>
      %dma_wait3A_37 = tpu.memref_squeeze %dma_wait3A_36 : memref<1x79x128xi32, #tpu.memory_space<hbm>> -> memref<79x128xi32, #tpu.memory_space<hbm>>
      tpu.wait_dma2 semaphore(%run_scoped3A : memref<!tpu.dma_semaphore, #tpu.memory_space<semaphore_mem>>) src(%dma_wait3A_37 : memref<79x128xi32, #tpu.memory_space<hbm>>) dst(%arg7 : memref<79x128xi32, #tpu.memory_space<vmem>>)
      tpu.yield
    }) : () -> ()
    "tpu.region"() ({
      %run_scoped3A = tpu.sem_alloc : memref<!tpu.dma_semaphore, #tpu.memory_space<semaphore_mem>>
      %dma_start3A = arith.constant 0 : i32
      %dma_start3A_24 = arith.constant 0 : i32
      %dma_start3A_25 = tpu.memref_slice %arg4[%add3A, %dma_start3A, %dma_start3A_24] : memref<32x79x128xi32, #tpu.memory_space<hbm>> -> memref<1x79x128xi32, #tpu.memory_space<hbm>>
      %dma_start3A_26 = tpu.memref_squeeze %dma_start3A_25 : memref<1x79x128xi32, #tpu.memory_space<hbm>> -> memref<79x128xi32, #tpu.memory_space<hbm>>
      %dma_start3A_27 = arith.constant 0 : i32
      %dma_start3A_28 = arith.constant 0 : i32
      %dma_start3A_29 = tpu.memref_slice %arg4[%add3A, %dma_start3A_27, %dma_start3A_28] : memref<32x79x128xi32, #tpu.memory_space<hbm>> -> memref<1x79x128xi32, #tpu.memory_space<hbm>>
      %dma_start3A_30 = tpu.memref_squeeze %dma_start3A_29 : memref<1x79x128xi32, #tpu.memory_space<hbm>> -> memref<79x128xi32, #tpu.memory_space<hbm>>
      tpu.enqueue_dma source(%dma_start3A_30 : memref<79x128xi32, #tpu.memory_space<hbm>>) target(%arg8 : memref<79x128xi32, #tpu.memory_space<vmem>>) target_semaphore(%run_scoped3A : memref<!tpu.dma_semaphore, #tpu.memory_space<semaphore_mem>>)
      %dma_wait3A = arith.constant 0 : i32
      %dma_wait3A_31 = arith.constant 0 : i32
      %dma_wait3A_32 = tpu.memref_slice %arg4[%add3A, %dma_wait3A, %dma_wait3A_31] : memref<32x79x128xi32, #tpu.memory_space<hbm>> -> memref<1x79x128xi32, #tpu.memory_space<hbm>>
      %dma_wait3A_33 = tpu.memref_squeeze %dma_wait3A_32 : memref<1x79x128xi32, #tpu.memory_space<hbm>> -> memref<79x128xi32, #tpu.memory_space<hbm>>
      %dma_wait3A_34 = arith.constant 0 : i32
      %dma_wait3A_35 = arith.constant 0 : i32
      %dma_wait3A_36 = tpu.memref_slice %arg4[%add3A, %dma_wait3A_34, %dma_wait3A_35] : memref<32x79x128xi32, #tpu.memory_space<hbm>> -> memref<1x79x128xi32, #tpu.memory_space<hbm>>
      %dma_wait3A_37 = tpu.memref_squeeze %dma_wait3A_36 : memref<1x79x128xi32, #tpu.memory_space<hbm>> -> memref<79x128xi32, #tpu.memory_space<hbm>>
      tpu.wait_dma2 semaphore(%run_scoped3A : memref<!tpu.dma_semaphore, #tpu.memory_space<semaphore_mem>>) src(%dma_wait3A_37 : memref<79x128xi32, #tpu.memory_space<hbm>>) dst(%arg8 : memref<79x128xi32, #tpu.memory_space<vmem>>)
      tpu.yield
    }) : () -> ()
    %barrier3A = arith.constant 0 : index
    tpu.barrier barrier_id(%barrier3A)
    %scan3A = arith.constant 0 : i32
    %scan3A_15 = arith.constant 0 : i32
    %scan3A_16 = arith.constant 79 : i32
    %scan3A_17 = arith.addi %scan3A_15, %scan3A_16 : i32
    %scan3A_18 = arith.constant 1 : i32
    scf.for %scan3A_24 = %scan3A_15 to %scan3A_17 step %scan3A_18  : i32 {
      "tpu.region"() ({
        %run_scoped3A = tpu.sem_alloc : memref<!tpu.dma_semaphore, #tpu.memory_space<semaphore_mem>>
        %dma_start3A = arith.constant 0 : i32
        %dma_start3A_25 = tpu.memref_slice %arg7[%scan3A_24, %dma_start3A] : memref<79x128xi32, #tpu.memory_space<vmem>> -> memref<1x128xi32, #tpu.memory_space<vmem>>
        %dma_start3A_26 = tpu.memref_squeeze %dma_start3A_25 : memref<1x128xi32, #tpu.memory_space<vmem>> -> memref<128xi32, #tpu.memory_space<vmem>>
        %dma_start3A_27 = arith.constant 0 : i32
        %dma_start3A_28 = arith.constant 0 : i32
        %dma_start3A_29 = tpu.memref_slice %arg11[%dma_start3A_27, %dma_start3A_28] : memref<10112x64xf32, #tpu.memory_space<vmem_shared>> -> memref<10112x64xf32, #tpu.memory_space<vmem_shared>>
        tpu.enqueue_indirect_dma source(%dma_start3A_29 : memref<10112x64xf32, #tpu.memory_space<vmem_shared>>) target(%arg9 : memref<128x64xf32, #tpu.memory_space<vmem>>) offsets(%dma_start3A_26 : memref<128xi32, #tpu.memory_space<vmem>>) semaphore(%run_scoped3A : memref<!tpu.dma_semaphore, #tpu.memory_space<semaphore_mem>>)
        %dma_wait3A = arith.constant 0 : i32
        %dma_wait3A_30 = tpu.memref_slice %arg7[%scan3A_24, %dma_wait3A] : memref<79x128xi32, #tpu.memory_space<vmem>> -> memref<1x128xi32, #tpu.memory_space<vmem>>
        %dma_wait3A_31 = tpu.memref_squeeze %dma_wait3A_30 : memref<1x128xi32, #tpu.memory_space<vmem>> -> memref<128xi32, #tpu.memory_space<vmem>>
        %dma_wait3A_32 = arith.constant 0 : i32
        %dma_wait3A_33 = arith.constant 0 : i32
        %dma_wait3A_34 = tpu.memref_slice %arg11[%dma_wait3A_32, %dma_wait3A_33] : memref<10112x64xf32, #tpu.memory_space<vmem_shared>> -> memref<10112x64xf32, #tpu.memory_space<vmem_shared>>
        tpu.wait_indirect_dma semaphore(%run_scoped3A : memref<!tpu.dma_semaphore, #tpu.memory_space<semaphore_mem>>) src(%dma_wait3A_34 : memref<10112x64xf32, #tpu.memory_space<vmem_shared>>) dst(%arg9 : memref<128x64xf32, #tpu.memory_space<vmem>>)
        tpu.yield
      }) : () -> ()
      "tpu.region"() ({
        %run_scoped3A = tpu.sem_alloc : memref<!tpu.dma_semaphore, #tpu.memory_space<semaphore_mem>>
        %dma_start3A = arith.constant 0 : i32
        %dma_start3A_25 = tpu.memref_slice %arg8[%scan3A_24, %dma_start3A] : memref<79x128xi32, #tpu.memory_space<vmem>> -> memref<1x128xi32, #tpu.memory_space<vmem>>
        %dma_start3A_26 = tpu.memref_squeeze %dma_start3A_25 : memref<1x128xi32, #tpu.memory_space<vmem>> -> memref<128xi32, #tpu.memory_space<vmem>>
        %dma_start3A_27 = arith.constant 0 : i32
        %dma_start3A_28 = arith.constant 0 : i32
        %dma_start3A_29 = tpu.memref_slice %arg12[%dma_start3A_27, %dma_start3A_28] : memref<10112x64xf32, #tpu.memory_space<vmem_shared>> -> memref<10112x64xf32, #tpu.memory_space<vmem_shared>>
        tpu.enqueue_indirect_dma source(%arg9 : memref<128x64xf32, #tpu.memory_space<vmem>>) target(%dma_start3A_29 : memref<10112x64xf32, #tpu.memory_space<vmem_shared>>) offsets(%dma_start3A_26 : memref<128xi32, #tpu.memory_space<vmem>>) semaphore(%run_scoped3A : memref<!tpu.dma_semaphore, #tpu.memory_space<semaphore_mem>>) {add = true}
        %dma_wait3A = arith.constant 0 : i32
        %dma_wait3A_30 = tpu.memref_slice %arg8[%scan3A_24, %dma_wait3A] : memref<79x128xi32, #tpu.memory_space<vmem>> -> memref<1x128xi32, #tpu.memory_space<vmem>>
        %dma_wait3A_31 = tpu.memref_squeeze %dma_wait3A_30 : memref<1x128xi32, #tpu.memory_space<vmem>> -> memref<128xi32, #tpu.memory_space<vmem>>
        %dma_wait3A_32 = arith.constant 0 : i32
        %dma_wait3A_33 = arith.constant 0 : i32
        %dma_wait3A_34 = tpu.memref_slice %arg12[%dma_wait3A_32, %dma_wait3A_33] : memref<10112x64xf32, #tpu.memory_space<vmem_shared>> -> memref<10112x64xf32, #tpu.memory_space<vmem_shared>>
        tpu.wait_indirect_dma semaphore(%run_scoped3A : memref<!tpu.dma_semaphore, #tpu.memory_space<semaphore_mem>>) src(%arg9 : memref<128x64xf32, #tpu.memory_space<vmem>>) dst(%dma_wait3A_34 : memref<10112x64xf32, #tpu.memory_space<vmem_shared>>)
        tpu.yield
      }) : () -> ()
    }
    %scan3A_19 = arith.constant 79 : i32
    %barrier3A_20 = arith.constant 0 : index
    tpu.barrier barrier_id(%barrier3A_20)
    %min3A_21 = arith.constant 9368 : i32
    %min3A_22 = arith.minsi %multiple_of3A, %min3A_21 : i32
    %multiple_of3A_23 = tpu.assume_multiple %min3A_22, 8 : i32
    "tpu.region"() ({
      %run_scoped3A = tpu.sem_alloc : memref<!tpu.dma_semaphore, #tpu.memory_space<semaphore_mem>>
      %dma_start3A = arith.constant 0 : i32
      %dma_start3A_24 = tpu.memref_slice %arg6[%arg0, %multiple_of3A_23, %dma_start3A] : memref<2x10000x64xf32, #tpu.memory_space<hbm>> -> memref<1x632x64xf32, #tpu.memory_space<hbm>>
      %dma_start3A_25 = tpu.memref_squeeze %dma_start3A_24 : memref<1x632x64xf32, #tpu.memory_space<hbm>> -> memref<632x64xf32, #tpu.memory_space<hbm>>
      %dma_start3A_26 = arith.constant 0 : i32
      %dma_start3A_27 = tpu.memref_slice %arg12[%multiple_of3A_23, %dma_start3A_26] : memref<10112x64xf32, #tpu.memory_space<vmem_shared>> -> memref<632x64xf32, #tpu.memory_space<vmem_shared>>
      tpu.enqueue_dma source(%dma_start3A_27 : memref<632x64xf32, #tpu.memory_space<vmem_shared>>) target(%dma_start3A_25 : memref<632x64xf32, #tpu.memory_space<hbm>>) target_semaphore(%run_scoped3A : memref<!tpu.dma_semaphore, #tpu.memory_space<semaphore_mem>>)
      %dma_wait3A = arith.constant 0 : i32
      %dma_wait3A_28 = tpu.memref_slice %arg6[%arg0, %multiple_of3A_23, %dma_wait3A] : memref<2x10000x64xf32, #tpu.memory_space<hbm>> -> memref<1x632x64xf32, #tpu.memory_space<hbm>>
      %dma_wait3A_29 = tpu.memref_squeeze %dma_wait3A_28 : memref<1x632x64xf32, #tpu.memory_space<hbm>> -> memref<632x64xf32, #tpu.memory_space<hbm>>
      %dma_wait3A_30 = arith.constant 0 : i32
      %dma_wait3A_31 = tpu.memref_slice %arg12[%multiple_of3A_23, %dma_wait3A_30] : memref<10112x64xf32, #tpu.memory_space<vmem_shared>> -> memref<632x64xf32, #tpu.memory_space<vmem_shared>>
      tpu.wait_dma2 semaphore(%run_scoped3A : memref<!tpu.dma_semaphore, #tpu.memory_space<semaphore_mem>>) src(%dma_wait3A_31 : memref<632x64xf32, #tpu.memory_space<vmem_shared>>) dst(%dma_wait3A_29 : memref<632x64xf32, #tpu.memory_space<hbm>>)
      tpu.yield
    }) : () -> ()
    return
  }
}

module attributes {stable_mosaic.version = 14 : i64} {
  func.func @_pre_body(%arg0: i32, %arg1: memref<2000x128xf32, #tpu.memory_space<vmem>>, %arg2: memref<128x64xf32, #tpu.memory_space<vmem>>, %arg3: memref<1x64xf32, #tpu.memory_space<vmem>>, %arg4: memref<64x64xf32, #tpu.memory_space<vmem>>, %arg5: memref<1x64xf32, #tpu.memory_space<vmem>>, %arg6: memref<64x64xf32, #tpu.memory_space<vmem>>, %arg7: memref<1x64xf32, #tpu.memory_space<vmem>>, %arg8: memref<64x64xf32, #tpu.memory_space<vmem>>, %arg9: memref<1x64xf32, #tpu.memory_space<vmem>>, %arg10: memref<2000x64xf32, #tpu.memory_space<vmem>>, %arg11: memref<2000x64xf32, #tpu.memory_space<vmem>>) attributes {dimension_semantics = [#tpu.dimension_semantics<arbitrary>], iteration_bounds = array<i64: 5>, scalar_prefetch = 0 : i64, scratch_operands = 0 : i64, tpu.core_type = #tpu.core_type<tc>, window_params = [{transform_indices = @transform_0, window_bounds = array<i64: 2000, 128>}, {pipeline_mode = #tpu.pipeline_mode<synchronous>, transform_indices = @transform_1, window_bounds = array<i64: 128, 64>}, {pipeline_mode = #tpu.pipeline_mode<synchronous>, transform_indices = @transform_2, window_bounds = array<i64: 1, 64>}, {pipeline_mode = #tpu.pipeline_mode<synchronous>, transform_indices = @transform_3, window_bounds = array<i64: 64, 64>}, {pipeline_mode = #tpu.pipeline_mode<synchronous>, transform_indices = @transform_4, window_bounds = array<i64: 1, 64>}, {pipeline_mode = #tpu.pipeline_mode<synchronous>, transform_indices = @transform_5, window_bounds = array<i64: 64, 64>}, {pipeline_mode = #tpu.pipeline_mode<synchronous>, transform_indices = @transform_6, window_bounds = array<i64: 1, 64>}, {pipeline_mode = #tpu.pipeline_mode<synchronous>, transform_indices = @transform_7, window_bounds = array<i64: 64, 64>}, {pipeline_mode = #tpu.pipeline_mode<synchronous>, transform_indices = @transform_8, window_bounds = array<i64: 1, 64>}, {transform_indices = @transform_9, window_bounds = array<i64: 2000, 64>}, {transform_indices = @transform_10, window_bounds = array<i64: 2000, 64>}]} {
    %get3A = arith.constant 0 : index
    %get3A_0 = arith.constant 0 : index
    %get3A_1 = vector.load %arg1[%get3A, %get3A_0] : memref<2000x128xf32, #tpu.memory_space<vmem>>, vector<2000x128xf32>
    %get3A_2 = arith.constant 0 : index
    %get3A_3 = arith.constant 0 : index
    %get3A_4 = vector.load %arg2[%get3A_2, %get3A_3] : memref<128x64xf32, #tpu.memory_space<vmem>>, vector<128x64xf32>
    %dot_general3A = arith.constant dense<0.000000e+00> : vector<2000x64xf32>
    %dot_general3A_5 = tpu.matmul %get3A_1, %get3A_4, %dot_general3A {dimension_numbers = #tpu.dot_dimension_numbers<[1], [0], [0], [1], [0, 0, 1, 1], [], []>, transpose_lhs_hint = false} : vector<2000x128xf32>, vector<128x64xf32>, vector<2000x64xf32> -> vector<2000x64xf32>
    %get3A_6 = arith.constant 0 : index
    %get3A_7 = arith.constant 0 : index
    %get3A_8 = vector.load %arg3[%get3A_6, %get3A_7] : memref<1x64xf32, #tpu.memory_space<vmem>>, vector<1x64xf32>
    %add3A = vector.broadcast %get3A_8 : vector<1x64xf32> to vector<2000x64xf32>
    %add3A_9 = arith.addf %dot_general3A_5, %add3A : vector<2000x64xf32>
    %max3A = arith.constant 0.000000e+00 : f32
    %max3A_10 = vector.broadcast %max3A : f32 to vector<2000x64xf32>
    %max3A_11 = arith.maximumf %add3A_9, %max3A_10 : vector<2000x64xf32>
    %get3A_12 = arith.constant 0 : index
    %get3A_13 = arith.constant 0 : index
    %get3A_14 = vector.load %arg4[%get3A_12, %get3A_13] : memref<64x64xf32, #tpu.memory_space<vmem>>, vector<64x64xf32>
    %dot_general3A_15 = arith.constant dense<0.000000e+00> : vector<2000x64xf32>
    %dot_general3A_16 = tpu.matmul %max3A_11, %get3A_14, %dot_general3A_15 {dimension_numbers = #tpu.dot_dimension_numbers<[1], [0], [0], [1], [0, 0, 1, 1], [], []>, transpose_lhs_hint = false} : vector<2000x64xf32>, vector<64x64xf32>, vector<2000x64xf32> -> vector<2000x64xf32>
    %get3A_17 = arith.constant 0 : index
    %get3A_18 = arith.constant 0 : index
    %get3A_19 = vector.load %arg5[%get3A_17, %get3A_18] : memref<1x64xf32, #tpu.memory_space<vmem>>, vector<1x64xf32>
    %add3A_20 = vector.broadcast %get3A_19 : vector<1x64xf32> to vector<2000x64xf32>
    %add3A_21 = arith.addf %dot_general3A_16, %add3A_20 : vector<2000x64xf32>
    %max3A_22 = arith.constant 0.000000e+00 : f32
    %max3A_23 = vector.broadcast %max3A_22 : f32 to vector<2000x64xf32>
    %max3A_24 = arith.maximumf %add3A_21, %max3A_23 : vector<2000x64xf32>
    %get3A_25 = arith.constant 0 : index
    %get3A_26 = arith.constant 0 : index
    %get3A_27 = vector.load %arg6[%get3A_25, %get3A_26] : memref<64x64xf32, #tpu.memory_space<vmem>>, vector<64x64xf32>
    %dot_general3A_28 = arith.constant dense<0.000000e+00> : vector<2000x64xf32>
    %dot_general3A_29 = tpu.matmul %max3A_24, %get3A_27, %dot_general3A_28 {dimension_numbers = #tpu.dot_dimension_numbers<[1], [0], [0], [1], [0, 0, 1, 1], [], []>, transpose_lhs_hint = false} : vector<2000x64xf32>, vector<64x64xf32>, vector<2000x64xf32> -> vector<2000x64xf32>
    %get3A_30 = arith.constant 0 : index
    %get3A_31 = arith.constant 0 : index
    %get3A_32 = vector.load %arg7[%get3A_30, %get3A_31] : memref<1x64xf32, #tpu.memory_space<vmem>>, vector<1x64xf32>
    %add3A_33 = vector.broadcast %get3A_32 : vector<1x64xf32> to vector<2000x64xf32>
    %add3A_34 = arith.addf %dot_general3A_29, %add3A_33 : vector<2000x64xf32>
    %max3A_35 = arith.constant 0.000000e+00 : f32
    %max3A_36 = vector.broadcast %max3A_35 : f32 to vector<2000x64xf32>
    %max3A_37 = arith.maximumf %add3A_34, %max3A_36 : vector<2000x64xf32>
    %swap3A = arith.constant 0 : index
    %swap3A_38 = arith.constant 0 : index
    %swap3A_39 = vector.load %arg10[%swap3A, %swap3A_38] : memref<2000x64xf32, #tpu.memory_space<vmem>>, vector<2000x64xf32>
    tpu.vector_store %arg10[%swap3A, %swap3A_38], %max3A_37 {strides = array<i32>} : memref<2000x64xf32, #tpu.memory_space<vmem>>, vector<2000x64xf32>,
    %get3A_40 = arith.constant 0 : index
    %get3A_41 = arith.constant 0 : index
    %get3A_42 = vector.load %arg8[%get3A_40, %get3A_41] : memref<64x64xf32, #tpu.memory_space<vmem>>, vector<64x64xf32>
    %dot_general3A_43 = arith.constant dense<0.000000e+00> : vector<2000x64xf32>
    %dot_general3A_44 = tpu.matmul %max3A_37, %get3A_42, %dot_general3A_43 {dimension_numbers = #tpu.dot_dimension_numbers<[1], [0], [0], [1], [0, 0, 1, 1], [], []>, transpose_lhs_hint = false} : vector<2000x64xf32>, vector<64x64xf32>, vector<2000x64xf32> -> vector<2000x64xf32>
    %get3A_45 = arith.constant 0 : index
    %get3A_46 = arith.constant 0 : index
    %get3A_47 = vector.load %arg9[%get3A_45, %get3A_46] : memref<1x64xf32, #tpu.memory_space<vmem>>, vector<1x64xf32>
    %add3A_48 = vector.broadcast %get3A_47 : vector<1x64xf32> to vector<2000x64xf32>
    %add3A_49 = arith.addf %dot_general3A_44, %add3A_48 : vector<2000x64xf32>
    %max3A_50 = arith.constant 0.000000e+00 : f32
    %max3A_51 = vector.broadcast %max3A_50 : f32 to vector<2000x64xf32>
    %max3A_52 = arith.maximumf %add3A_49, %max3A_51 : vector<2000x64xf32>
    %swap3A_53 = arith.constant 0 : index
    %swap3A_54 = arith.constant 0 : index
    %swap3A_55 = vector.load %arg11[%swap3A_53, %swap3A_54] : memref<2000x64xf32, #tpu.memory_space<vmem>>, vector<2000x64xf32>
    tpu.vector_store %arg11[%swap3A_53, %swap3A_54], %max3A_52 {strides = array<i32>} : memref<2000x64xf32, #tpu.memory_space<vmem>>, vector<2000x64xf32>,
    return
  }
  func.func @transform_0(%arg0: i32) -> (i32, i32) {
    %c0_i32 = arith.constant 0 : i32
    %c0_i32_0 = arith.constant 0 : i32
    return %arg0, %c0_i32 : i32, i32
  }
  func.func @transform_1(%arg0: i32) -> (i32, i32) {
    %c0_i32 = arith.constant 0 : i32
    %c0_i32_0 = arith.constant 0 : i32
    %c0_i32_1 = arith.constant 0 : i32
    return %c0_i32, %c0_i32_0 : i32, i32
  }
  func.func @transform_2(%arg0: i32) -> (i32, i32) {
    %c0_i32 = arith.constant 0 : i32
    %c0_i32_0 = arith.constant 0 : i32
    %c0_i32_1 = arith.constant 0 : i32
    return %c0_i32, %c0_i32_0 : i32, i32
  }
  func.func @transform_3(%arg0: i32) -> (i32, i32) {
    %c0_i32 = arith.constant 0 : i32
    %c0_i32_0 = arith.constant 0 : i32
    %c0_i32_1 = arith.constant 0 : i32
    return %c0_i32, %c0_i32_0 : i32, i32
  }
  func.func @transform_4(%arg0: i32) -> (i32, i32) {
    %c0_i32 = arith.constant 0 : i32
    %c0_i32_0 = arith.constant 0 : i32
    %c0_i32_1 = arith.constant 0 : i32
    return %c0_i32, %c0_i32_0 : i32, i32
  }
  func.func @transform_5(%arg0: i32) -> (i32, i32) {
    %c0_i32 = arith.constant 0 : i32
    %c0_i32_0 = arith.constant 0 : i32
    %c0_i32_1 = arith.constant 0 : i32
    return %c0_i32, %c0_i32_0 : i32, i32
  }
  func.func @transform_6(%arg0: i32) -> (i32, i32) {
    %c0_i32 = arith.constant 0 : i32
    %c0_i32_0 = arith.constant 0 : i32
    %c0_i32_1 = arith.constant 0 : i32
    return %c0_i32, %c0_i32_0 : i32, i32
  }
  func.func @transform_7(%arg0: i32) -> (i32, i32) {
    %c0_i32 = arith.constant 0 : i32
    %c0_i32_0 = arith.constant 0 : i32
    %c0_i32_1 = arith.constant 0 : i32
    return %c0_i32, %c0_i32_0 : i32, i32
  }
  func.func @transform_8(%arg0: i32) -> (i32, i32) {
    %c0_i32 = arith.constant 0 : i32
    %c0_i32_0 = arith.constant 0 : i32
    %c0_i32_1 = arith.constant 0 : i32
    return %c0_i32, %c0_i32_0 : i32, i32
  }
  func.func @transform_9(%arg0: i32) -> (i32, i32) {
    %c0_i32 = arith.constant 0 : i32
    %c0_i32_0 = arith.constant 0 : i32
    return %arg0, %c0_i32 : i32, i32
  }
  func.func @transform_10(%arg0: i32) -> (i32, i32) {
    %c0_i32 = arith.constant 0 : i32
    %c0_i32_0 = arith.constant 0 : i32
    return %arg0, %c0_i32 : i32, i32
  }
}

module attributes {stable_mosaic.version = 14 : i64} {
  func.func @_post_body(%arg0: i32, %arg1: memref<2000x64xf32, #tpu.memory_space<vmem>>, %arg2: memref<2x2000x64xf32, #tpu.memory_space<vmem>>, %arg3: memref<128x64xf32, #tpu.memory_space<vmem>>, %arg4: memref<1x64xf32, #tpu.memory_space<vmem>>, %arg5: memref<64x64xf32, #tpu.memory_space<vmem>>, %arg6: memref<1x64xf32, #tpu.memory_space<vmem>>, %arg7: memref<64x128xf32, #tpu.memory_space<vmem>>, %arg8: memref<1x128xf32, #tpu.memory_space<vmem>>, %arg9: memref<2000x128xf32, #tpu.memory_space<vmem>>) attributes {dimension_semantics = [#tpu.dimension_semantics<arbitrary>], iteration_bounds = array<i64: 5>, scalar_prefetch = 0 : i64, scratch_operands = 0 : i64, tpu.core_type = #tpu.core_type<tc>, window_params = [{transform_indices = @transform_0, window_bounds = array<i64: 2000, 64>}, {transform_indices = @transform_1, window_bounds = array<i64: 2, 2000, 64>}, {pipeline_mode = #tpu.pipeline_mode<synchronous>, transform_indices = @transform_2, window_bounds = array<i64: 128, 64>}, {pipeline_mode = #tpu.pipeline_mode<synchronous>, transform_indices = @transform_3, window_bounds = array<i64: 1, 64>}, {pipeline_mode = #tpu.pipeline_mode<synchronous>, transform_indices = @transform_4, window_bounds = array<i64: 64, 64>}, {pipeline_mode = #tpu.pipeline_mode<synchronous>, transform_indices = @transform_5, window_bounds = array<i64: 1, 64>}, {pipeline_mode = #tpu.pipeline_mode<synchronous>, transform_indices = @transform_6, window_bounds = array<i64: 64, 128>}, {pipeline_mode = #tpu.pipeline_mode<synchronous>, transform_indices = @transform_7, window_bounds = array<i64: 1, 128>}, {transform_indices = @transform_8, window_bounds = array<i64: 2000, 128>}]} {
    %get3A = arith.constant 0 : index
    %get3A_0 = arith.constant 0 : index
    %get3A_1 = arith.constant 0 : index
    %get3A_2 = vector.load %arg2[%get3A, %get3A_0, %get3A_1] : memref<2x2000x64xf32, #tpu.memory_space<vmem>>, vector<1x2000x64xf32>
    %get3A_3 = vector.shape_cast %get3A_2 : vector<1x2000x64xf32> to vector<2000x64xf32>
    %get3A_4 = arith.constant 1 : index
    %get3A_5 = arith.constant 0 : index
    %get3A_6 = arith.constant 0 : index
    %get3A_7 = vector.load %arg2[%get3A_4, %get3A_5, %get3A_6] : memref<2x2000x64xf32, #tpu.memory_space<vmem>>, vector<1x2000x64xf32>
    %get3A_8 = vector.shape_cast %get3A_7 : vector<1x2000x64xf32> to vector<2000x64xf32>
    %add3A = arith.addf %get3A_3, %get3A_8 : vector<2000x64xf32>
    %get3A_9 = arith.constant 0 : index
    %get3A_10 = arith.constant 0 : index
    %get3A_11 = vector.load %arg1[%get3A_9, %get3A_10] : memref<2000x64xf32, #tpu.memory_space<vmem>>, vector<2000x64xf32>
    %concatenate3A = tpu.concatenate %get3A_11, %add3A in 1 : vector<2000x64xf32>, vector<2000x64xf32> -> vector<2000x128xf32>
    %get3A_12 = arith.constant 0 : index
    %get3A_13 = arith.constant 0 : index
    %get3A_14 = vector.load %arg3[%get3A_12, %get3A_13] : memref<128x64xf32, #tpu.memory_space<vmem>>, vector<128x64xf32>
    %dot_general3A = arith.constant dense<0.000000e+00> : vector<2000x64xf32>
    %dot_general3A_15 = tpu.matmul %concatenate3A, %get3A_14, %dot_general3A {dimension_numbers = #tpu.dot_dimension_numbers<[1], [0], [0], [1], [0, 0, 1, 1], [], []>, transpose_lhs_hint = false} : vector<2000x128xf32>, vector<128x64xf32>, vector<2000x64xf32> -> vector<2000x64xf32>
    %get3A_16 = arith.constant 0 : index
    %get3A_17 = arith.constant 0 : index
    %get3A_18 = vector.load %arg4[%get3A_16, %get3A_17] : memref<1x64xf32, #tpu.memory_space<vmem>>, vector<1x64xf32>
    %add3A_19 = vector.broadcast %get3A_18 : vector<1x64xf32> to vector<2000x64xf32>
    %add3A_20 = arith.addf %dot_general3A_15, %add3A_19 : vector<2000x64xf32>
    %max3A = arith.constant 0.000000e+00 : f32
    %max3A_21 = vector.broadcast %max3A : f32 to vector<2000x64xf32>
    %max3A_22 = arith.maximumf %add3A_20, %max3A_21 : vector<2000x64xf32>
    %get3A_23 = arith.constant 0 : index
    %get3A_24 = arith.constant 0 : index
    %get3A_25 = vector.load %arg5[%get3A_23, %get3A_24] : memref<64x64xf32, #tpu.memory_space<vmem>>, vector<64x64xf32>
    %dot_general3A_26 = arith.constant dense<0.000000e+00> : vector<2000x64xf32>
    %dot_general3A_27 = tpu.matmul %max3A_22, %get3A_25, %dot_general3A_26 {dimension_numbers = #tpu.dot_dimension_numbers<[1], [0], [0], [1], [0, 0, 1, 1], [], []>, transpose_lhs_hint = false} : vector<2000x64xf32>, vector<64x64xf32>, vector<2000x64xf32> -> vector<2000x64xf32>
    %get3A_28 = arith.constant 0 : index
    %get3A_29 = arith.constant 0 : index
    %get3A_30 = vector.load %arg6[%get3A_28, %get3A_29] : memref<1x64xf32, #tpu.memory_space<vmem>>, vector<1x64xf32>
    %add3A_31 = vector.broadcast %get3A_30 : vector<1x64xf32> to vector<2000x64xf32>
    %add3A_32 = arith.addf %dot_general3A_27, %add3A_31 : vector<2000x64xf32>
    %max3A_33 = arith.constant 0.000000e+00 : f32
    %max3A_34 = vector.broadcast %max3A_33 : f32 to vector<2000x64xf32>
    %max3A_35 = arith.maximumf %add3A_32, %max3A_34 : vector<2000x64xf32>
    %get3A_36 = arith.constant 0 : index
    %get3A_37 = arith.constant 0 : index
    %get3A_38 = vector.load %arg7[%get3A_36, %get3A_37] : memref<64x128xf32, #tpu.memory_space<vmem>>, vector<64x128xf32>
    %dot_general3A_39 = arith.constant dense<0.000000e+00> : vector<2000x128xf32>
    %dot_general3A_40 = tpu.matmul %max3A_35, %get3A_38, %dot_general3A_39 {dimension_numbers = #tpu.dot_dimension_numbers<[1], [0], [0], [1], [0, 0, 1, 1], [], []>, transpose_lhs_hint = false} : vector<2000x64xf32>, vector<64x128xf32>, vector<2000x128xf32> -> vector<2000x128xf32>
    %get3A_41 = arith.constant 0 : index
    %get3A_42 = arith.constant 0 : index
    %get3A_43 = vector.load %arg8[%get3A_41, %get3A_42] : memref<1x128xf32, #tpu.memory_space<vmem>>, vector<1x128xf32>
    %add3A_44 = vector.broadcast %get3A_43 : vector<1x128xf32> to vector<2000x128xf32>
    %add3A_45 = arith.addf %dot_general3A_40, %add3A_44 : vector<2000x128xf32>
    %max3A_46 = arith.constant 0.000000e+00 : f32
    %max3A_47 = vector.broadcast %max3A_46 : f32 to vector<2000x128xf32>
    %max3A_48 = arith.maximumf %add3A_45, %max3A_47 : vector<2000x128xf32>
    %swap3A = arith.constant 0 : index
    %swap3A_49 = arith.constant 0 : index
    %swap3A_50 = vector.load %arg9[%swap3A, %swap3A_49] : memref<2000x128xf32, #tpu.memory_space<vmem>>, vector<2000x128xf32>
    tpu.vector_store %arg9[%swap3A, %swap3A_49], %max3A_48 {strides = array<i32>} : memref<2000x128xf32, #tpu.memory_space<vmem>>, vector<2000x128xf32>,
    return
  }
  func.func @transform_0(%arg0: i32) -> (i32, i32) {
    %c0_i32 = arith.constant 0 : i32
    %c0_i32_0 = arith.constant 0 : i32
    return %arg0, %c0_i32 : i32, i32
  }
  func.func @transform_1(%arg0: i32) -> (i32, i32, i32) {
    %c0_i32 = arith.constant 0 : i32
    %c0_i32_0 = arith.constant 0 : i32
    %c0_i32_1 = arith.constant 0 : i32
    return %c0_i32, %arg0, %c0_i32_0 : i32, i32, i32
  }
  func.func @transform_2(%arg0: i32) -> (i32, i32) {
    %c0_i32 = arith.constant 0 : i32
    %c0_i32_0 = arith.constant 0 : i32
    %c0_i32_1 = arith.constant 0 : i32
    return %c0_i32, %c0_i32_0 : i32, i32
  }
  func.func @transform_3(%arg0: i32) -> (i32, i32) {
    %c0_i32 = arith.constant 0 : i32
    %c0_i32_0 = arith.constant 0 : i32
    %c0_i32_1 = arith.constant 0 : i32
    return %c0_i32, %c0_i32_0 : i32, i32
  }
  func.func @transform_4(%arg0: i32) -> (i32, i32) {
    %c0_i32 = arith.constant 0 : i32
    %c0_i32_0 = arith.constant 0 : i32
    %c0_i32_1 = arith.constant 0 : i32
    return %c0_i32, %c0_i32_0 : i32, i32
  }
  func.func @transform_5(%arg0: i32) -> (i32, i32) {
    %c0_i32 = arith.constant 0 : i32
    %c0_i32_0 = arith.constant 0 : i32
    %c0_i32_1 = arith.constant 0 : i32
    return %c0_i32, %c0_i32_0 : i32, i32
  }
  func.func @transform_6(%arg0: i32) -> (i32, i32) {
    %c0_i32 = arith.constant 0 : i32
    %c0_i32_0 = arith.constant 0 : i32
    %c0_i32_1 = arith.constant 0 : i32
    return %c0_i32, %c0_i32_0 : i32, i32
  }
  func.func @transform_7(%arg0: i32) -> (i32, i32) {
    %c0_i32 = arith.constant 0 : i32
    %c0_i32_0 = arith.constant 0 : i32
    %c0_i32_1 = arith.constant 0 : i32
    return %c0_i32, %c0_i32_0 : i32, i32
  }
  func.func @transform_8(%arg0: i32) -> (i32, i32) {
    %c0_i32 = arith.constant 0 : i32
    %c0_i32_0 = arith.constant 0 : i32
    return %arg0, %c0_i32 : i32, i32
  }
}

</mosaic_0001>

<sc_bundles>
// kernel: kernel.5.cloned.1.call-start
scs
__scs_entry_jumppad:
0x0: {  	(pc) =	sbr.rel $0x88, $3  }
0x1: {  	(tag) =	ssettag $0x0;
	lr =	simm.s32 $0x1  }
0x2: {  	[smem:$0x3F91] =	sst lr;
	_ =	strace $0xD0000000  }
0x3: {  	_ = 	snop  }
0x4: {  	_ = 	snop  }
0x5: {  	_ = 	snop  }
0x6: {  	_ = 	snop  }
0x7: {  	_ = 	snop  }
__scs_overlays_trampoline_lowered:
0x8: {  	[smem:$0x3FA0] =	sst s0  }
0x9: {  	[smem:$0x3FA1] =	sst s1  }
0xa: {  	[smem:$0x3FA2] =	sst s2  }
0xb: {  	[smem:$0x3FA3] =	sst s3  }
0xc: {  	[smem:$0x3FA4] =	sst s4  }
0xd: {  	[smem:$0x3FA5] =	sst s5  }
0xe: {  	[smem:$0x3FA6] =	sst s6  }
0xf: {  	[smem:$0x3FA7] =	sst s7  }
0x10: {  	[smem:$0x3FA8] =	sst s8  }
0x11: {  	[smem:$0x3FA9] =	sst s9;
	s0 =	simm.s32 @!p0 $0x0  }
0x12: {  	s1 =	sld [smem:$0x3F8F];
	s0 =	simm.s32 @p0 $0x1  }
0x13: {  	[smem:$0x3FAA] =	sst s0;
	s0 =	simm.s32 @!p1 $0x0  }
0x14: {  	s2 =	sld [smem:$0x3F8E];
	s0 =	simm.s32 @p1 $0x1  }
0x15: {  	[smem:$0x3FAB] =	sst s0;
	s0 =	simm.s32 @!p2 $0x0  }
0x16: {  	s3 =	sld [smem:$0x3FDB];
	s0 =	simm.s32 @p2 $0x1  }
0x17: {  	s4 =	simm.s32 $0x1BF5;
	[smem:$0x3FAD] =	sst s0  }
0x18: {  	s0 =	sld [smem:$0x3F90];
	_ =	swait.ge [sflag:s4], $0x0  }
0x19: {  	s7 =	sld [smem:$0x3F91]  }
0x1a: {  	s8 =	sadd.s32 $0xFFFFE003, lr  }
0x1b: {  	s9 =	sadd.s32 $0xFFFFFEF7, lr;
	s5 =	simm.s32 $0xFFFFFFFF;
	p2 =	slt.u32 s8, $0xFFFFF086  }
0x1c: {  	p1 =	slt.u32 s9, $0xF7A;
	s5 =	simm.s32 @!p2 $0x0  }
0x1d: {  	s5 =	simm.s32 @p1 $0x1;
	p0 =	seq.s32 s7, s2  }
0x1e: {  	s7 =	smul.u32 @!p0 $0xF7A, s2;
	p2 =	seq.s32 @!p0 s5, $0x0  }
0x1f: {  	s9 =	smul.u32 $0xF7A, s1;
	s8 =	simm.s32 @!p0 $0x1BF5;
	p2 =	por !p2, p0  }
0x20: {  	[sflag:s8] =	ssyncset.s32 @!p0 $0xFFFFF086;
	s6 =	sadd.s32 @!p0 s3, s7;
	s7 =	simm.s32 @!p0 $0x108  }
0x21: {  	s3 =	sadd.s32 s3, s9;
	s6 =	sadd.s32 @!p0 $0x88, s6;
	s7 =	simm.s32 @p2 $0x1082  }
0x22: {  	[simem:s7], [sflag:s8] =	dma.local @!p0 [hbm:s6], $0xF7A  }
0x23: {  	s9 =	sor.u32 $0xD0000000, s2;
	s6 =	simm.s32 $0x108;
	_ =	swait.ge @!p0 [sflag:s8], $0x0  }
0x24: {  	s3 =	sadd.s32 $0x88, s3;
	s6 =	simm.s32 @!p1 $0x1082;
	[sflag:s4] =	ssyncset.s32 $0xFFFFF086  }
0x25: {  	[simem:s6], [sflag:s4] =	dma.local [hbm:s3], $0xF7A  }
0x26: {  	[smem:$0x3F91] =	sst s1;
	(tag) =	ssettag s2;
	_ =	strace s9  }
0x27: {  	s1 =	sld [smem:$0x3FA1]  }
0x28: {  	s2 =	sld [smem:$0x3FA2]  }
0x29: {  	s4 =	sld [smem:$0x3FA4]  }
0x2a: {  	p0 =	seq.s32 s5, $0x0;
	s5 =	sld [smem:$0x3FA5]  }
0x2b: {  	s6 =	sld [smem:$0x3FA6]  }
0x2c: {  	s7 =	sld [smem:$0x3FA7]  }
0x2d: {  	s3 =	simm.s32 $0x108;
	s8 =	sld [smem:$0x3FA8]  }
0x2e: {  	s3 =	simm.s32 @!p0 $0x1082;
	s9 =	sld [smem:$0x3FA9]  }
0x2f: {  	lr =	sadd.s32 s0, s3;
	s0 =	sld [smem:$0x3FA0]  }
0x30: {  	s3 =	sld [smem:$0x3FA3]  }
0x31: {  	[smem:$0x3FAC] =	sst s10  }
0x32: {  	s10 =	sld [smem:$0x3FAA];
	_ =	sdelay $0x3  }
0x33: {  	p0 =	seq.s32 s10, $0x1;
	s10 =	sld [smem:$0x3FAC];
	_ =	sdelay $0x3  }
0x34: {  	[smem:$0x3FAC] =	sst s10  }
0x35: {  	s10 =	sld [smem:$0x3FAB];
	_ =	sdelay $0x3  }
0x36: {  	p1 =	seq.s32 s10, $0x1;
	s10 =	sld [smem:$0x3FAC];
	_ =	sdelay $0x3  }
0x37: {  	[smem:$0x3FAC] =	sst s10  }
0x38: {  	s10 =	sld [smem:$0x3FAD]  }
0x39: {  	_ = 	snop;
	(pc) =	sbr.ind lr, $3  }
0x3a: {  	_ = 	snop  }
0x3b: {  	_ = 	snop  }
0x3c: {  	p2 =	seq.s32 s10, $0x1;
	s10 =	sld [smem:$0x3FAC]  }
0x3d: {  	_ =	shalt  }
0x3e: {  	_ =	shalt  }
0x3f: {  	_ =	shalt  }
0x40: {  	_ =	shalt  }
0x41: {  	_ =	shalt  }
0x42: {  	_ =	shalt  }
0x43: {  	_ =	shalt  }
0x44: {  	_ =	shalt  }
0x45: {  	_ =	shalt  }
0x46: {  	_ =	shalt  }
0x47: {  	_ =	shalt  }
0x48: {  	_ =	shalt  }
0x49: {  	_ =	shalt  }
0x4a: {  	_ =	shalt  }
0x4b: {  	_ =	shalt  }
0x4c: {  	_ =	shalt  }
0x4d: {  	_ =	shalt  }
0x4e: {  	_ =	shalt  }
0x4f: {  	_ =	shalt  }
0x50: {  	_ =	shalt  }
0x51: {  	_ =	shalt  }
0x52: {  	_ =	shalt  }
0x53: {  	_ =	shalt  }
0x54: {  	_ =	shalt  }
0x55: {  	_ =	shalt  }
0x56: {  	_ =	shalt  }
0x57: {  	_ =	shalt  }
0x58: {  	_ =	shalt  }
0x59: {  	_ =	shalt  }
0x5a: {  	_ =	shalt  }
0x5b: {  	_ =	shalt  }
0x5c: {  	_ =	shalt  }
0x5d: {  	_ =	shalt  }
0x5e: {  	_ =	shalt  }
0x5f: {  	_ =	shalt  }
0x60: {  	_ =	shalt  }
0x61: {  	_ =	shalt  }
0x62: {  	_ =	shalt  }
0x63: {  	_ =	shalt  }
0x64: {  	_ =	shalt  }
0x65: {  	_ =	shalt  }
0x66: {  	_ =	shalt  }
0x67: {  	_ =	shalt  }
0x68: {  	_ =	shalt  }
0x69: {  	_ =	shalt  }
0x6a: {  	_ =	shalt  }
0x6b: {  	_ =	shalt  }
0x6c: {  	_ =	shalt  }
0x6d: {  	_ =	shalt  }
0x6e: {  	_ =	shalt  }
0x6f: {  	_ =	shalt  }
0x70: {  	_ =	shalt  }
0x71: {  	_ =	shalt  }
0x72: {  	_ =	shalt  }
0x73: {  	_ =	shalt  }
0x74: {  	_ =	shalt  }
0x75: {  	_ =	shalt  }
0x76: {  	_ =	shalt  }
0x77: {  	_ =	shalt  }
0x78: {  	_ =	shalt  }
0x79: {  	_ =	shalt  }
0x7a: {  	_ =	shalt  }
0x7b: {  	_ =	shalt  }
0x7c: {  	_ =	shalt  }
0x7d: {  	_ =	shalt  }
0x7e: {  	_ =	shalt  }
0x7f: {  	_ =	shalt  }
0x80: {  	_ =	shalt  }
0x81: {  	_ =	shalt  }
0x82: {  	_ =	shalt  }
0x83: {  	_ =	shalt  }
0x84: {  	_ =	shalt  }
0x85: {  	_ =	shalt  }
0x86: {  	_ =	shalt  }
0x87: {  	_ =	shalt  }
.Lfunc_end0:
.L_simem_size_0:
called_computation_lowered:
.L_overlay_start_0:
0x88: {  	s2 =	sld [smem:$0x3FD9]  }
0x89: {  	s3 =	sld [smem:$0x3FFE];
	_ =	sdelay $0x1  }
0x8a: {  	s1 =	srdreg.scid  }
0x8b: {  	s0 =	sand.u32 $0x1, s1  }
0x8c: {  	s17 =	sshll.u32 s0, $0xA;
	s2 =	sadd.s32 s3, s2  }
0x8d: {  	s2 =	sadd.s32 s2, s17  }
0x8e: {  	[smem:$0x3FB8] =	sst s2  }
0x8f: {  	_ = 	snop  }
0x90: {  	s2 =	sld [smem:$0x3FD0];
	(tm) =	ssettm $0x1  }
0x91: {  	s18 =	sld [smem:$0x3FFB];
	_ =	sdelay $0x3  }
0x92: {  	_ =	strace s18  }
0x93: {  	s3 =	sld [smem:$0x3FFC];
	_ =	sdelay $0x3  }
0x94: {  	_ =	strace s3  }
0x95: {  	s3 =	sld [smem:$0x3FFD];
	_ =	sdelay $0x3  }
0x96: {  	_ =	strace s3  }
0x97: {  	_ =	strace $0x8FFFFFFF  }
0x98: {  	s19 =	sld [smem:$0x3FDB];
	_ =	sdelay $0x1  }
0x99: {  	s4 =	simm.s32 $_scs_section_size  }
0x9a: {  	s5 =	simm.s32 $_size__tile_overlayer_lowered;
	s6 =	simm.s32 $_tile_overlayer_lowered  }
0x9b: {  	s22 =	simm.s32 $0x1BFF;
	s21 =	sshll.u32 s6, $0x1;
	s3 =	sadd.s32 s4, s19  }
0x9c: {  	s7 =	simm.s32 $0x0;
	s20 =	sshll.u32 s5, $0x1;
	s5 =	sadd.s32 s21, s3  }
0x9d: {  	[timem:s7], [sflag:s22] =	dma.local [hbm:s5], s20  }
0x9e: {  	_ =	swait.ge [sflag:s22], s20  }
0x9f: {  	s4 =	ssub.s32 $0x0, s20;
	[sflag:s22] =	ssyncset.done $0x0  }
0xa0: {  	[sflag:s22] =	ssyncadd.s32 s4;
	_ =	sdelay $0x1  }
0xa1: {  	s23 =	simm.s32 $0x1B8B  }
0xa2: {  	_ =	swait.ge [sflag:s23], $0x1  }
0xa3: {  	[sflag:s23] =	ssyncset.done $0x0  }
0xa4: {  	s25 =	simm.s32 $0x1B8E;
	s24 =	sld [smem:$0x3FFE];
	[sflag:s23] =	ssyncadd.s32 $0xFFFFFFFF  }
0xa5: {  	s26 =	simm.s32 $execute0_lowered;
	[smem:$0x3FD2] =	sst s25  }
0xa6: {  	s5 =	sshll.u32 s26, $0x1;
	_ =	strace $0x80000046;
	[dreg:$0x1] =	wrdreg $0xFFFFFFFF  }
0xa7: {  	s28 =	simm.s32 $_size_execute0_lowered;
	s3 =	sadd.s32 s3, s5;
	[dreg:$0x0] =	wrdreg $0x0  }
0xa8: {  	s5 =	sshll.u32 s28, $0x1;
	[dreg:$0x2] =	wrdreg s3  }
0xa9: {  	[dreg:$0x3] =	wrdreg s5  }
0xaa: {  	[dreg:$0x4] =	wrdreg $0xC0  }
0xab: {  	_ =	task [dreg:s7], $0x5FFFF  }
0xac: {  	[dreg:$0x1] =	wrdreg $0xFFFFFFFF  }
0xad: {  	[dreg:$0x0] =	wrdreg $0x60  }
0xae: {  	[dreg:$0x2] =	wrdreg s24  }
0xaf: {  	[dreg:$0x3] =	wrdreg s2  }
0xb0: {  	[dreg:$0x4] =	wrdreg $0x12D000  }
0xb1: {  	[dreg:$0x5] =	wrdreg $0x8F000  }
0xb2: {  	[dreg:$0x6] =	wrdreg $0x9  }
0xb3: {  	_ =	task.clear_ibuf [dreg:s7], $0x7FFFF;
	_ =	strace $0x90000046  }
0xb4: {  	s29 =	simm.s32 $0x9;
	_ =	strace $0x80000048  }
0xb5: {  	_ =	swait.ge [sflag:s29], $0x1  }
0xb6: {  	[sflag:s29] =	ssyncadd.s32 $0xFFFFFFFF  }
0xb7: {  	_ =	strace $0x90000048  }
0xb8: {  	_ =	sfence  }
0xb9: {  	s30 =	sld [smem:$0x0];
	_ =	sdelay $0x2  }
0xba: {  	s31 =	sshll.u32 s1, $0xD;
	s1 =	sshrl.u32 s1, $0x2  }
0xbb: {  	s3 =	sand.u32 $0x4000, s31;
	s1 =	sadd.s32 s1, s30  }
0xbc: {  	s0 =	sor.u32 s3, s0;
	s1 =	sshll.u32 s1, $0x11  }
0xbd: {  	s0 =	sor.u32 s1, s0  }
0xbe: {  	s0 =	sadd.s32 $0x8F2B, s0  }
0xbf: {  	[sflag:s0] =	ssyncadd.remote.s32 $0x1  }
0xc0: {  	_ =	sfence.sel $0xFFFF  }
0xc1: {  	[dreg:$0x0] =	wrdreg $0xFFFFFFFF;
	(pc) =	sbr.abs _section_cstart, $3  }
0xc2: {  	[dreg:$0x1] =	wrdreg $0xFFFFFFFF  }
0xc3: {  	_ =	task.clear_ibuf [dreg:s7], $0x2FFFF;
	_ =	strace $0x9FFFFFFF  }
0xc4: {  	(tm) =	ssettm $0x7FFFFFFF  }
0xc5: {  	_ =	shalt  }
tec
execute0_lowered:
.L_overlay_start_1:
0x0: {  	(tag) =	ssettag $0x1  }
0x1: {  	s5 =	rddreg [dreg:$0x0]  }
0x2: {  	s14 =	rddreg [dreg:$0x1]  }
0x3: {  	s1 =	rddreg [dreg:$0x2]  }
0x4: {  	s3 =	rddreg [dreg:$0x3]  }
0x5: {  	s0 =	stileid.u32;
	s2 =	srdreg.scid  }
0x6: {  	s4 =	simm.s32 $0x0;
	s20 =	simm.s32 $0x2780;
	s21 =	simm.s32 $0x80  }
0x7: {  	s22 =	simm.s32 $0x4F00;
	s24 =	simm.s32 $0x0;
	s6 =	smul.u32 $0x278, s0  }
0x8: {  	s7 =	sand.u32 $0x1, s2;
	s8 =	sshll.u32 s0, $0x1;
	s2 =	rddreg [dreg:$0x4]  }
0x9: {  	[smem:$0x7FF] =	sst s4;
	s10 =	smul.u32 $0x27800, s0;
	s18 =	sshll.u32 s0, $0x6  }
0xa: {  	s8 =	sor.u32 s7, s8;
	_ =	strace $0x80000047;
	s30 =	ssub.s32 $0x2, s7  }
0xb: {  	s12 =	smul.u32 $0x9C400, s7;
	s18 =	sor.u32 $0x1C01, s18;
	s9 =	smin.u32 s6, $0x2498  }
0xc: {  	s28 =	smul.u32 $0x4F0, s8;
	s31 =	sshrl.u32 s30, $0x1;
	s10 =	sshrl.u32 s10, $0x2  }
0xd: {  	s29 =	sshll.u32 s9, $0x3;
	s15 =	ssub.s32 s30, s31;
	s6 =	sadd.s32 s10, s1  }
0xe: {  	s16 =	sshll.u32 s9, $0x6;
	s11 =	sadd.s32 s29, s5;
	s13 =	sadd.s32 s28, s5  }
0xf: {  	s5 =	sadd.s32 $0x29000, s5;
	s7 =	sadd.s32 $0x2000, s6;
	s8 =	sadd.s32 $0x4000, s6  }
0x10: {  	s9 =	sadd.s32 $0x6000, s6;
	s10 =	sadd.s32 $0x8000, s6;
	s12 =	sadd.s32 s12, s16  }
0x11: {  	s19 =	sadd.s32 s16, s3;
	s23 =	sadd.s32 s16, s1;
	s15 =	smax.u32 s15, $0x1  }
0x12: {  	s16 =	simm.s32 $0x6F00;
	s11 =	sadd.s32 $0x1A00, s11;
	s17 =	sshrl.u32 s12, $0x3  }
0x13: {  	s12 =	sadd.s32 $0x1F200, s13;
	s13 =	sadd.s32 $0x15400, s13;
	s19 =	sshrl.u32 s19, $0x3  }
0x14: {  	s23 =	sshrl.u32 s23, $0x3;
	s14 =	sadd.s32 s14, s17;
	s17 =	simm.s32 $0x1  }
.LBB2_1:
0x15: {  	[tilespmem:s16], [sflag:$0x1] =	stream.linear.gather [hbm4b:s5+s4], $0x2000, $0x38;
	[tilespmem:$0x1CB00] =	vst v63  }
0x16: {  	_ =	swait.ge [sflag:s17], $0x2000  }
0x17: {  	[sflag:s17] =	ssyncset.done $0x0  }
0x18: {  	[sflag:s17] =	ssyncadd.s32 $0xFFFFE000  }
0x19: {  	[spmem:s6] =	stream.linear.scatter [tilespmem:s16], [sflag:$0x1], $0x2000, $0x38;
	[tilespmem:$0x1CB00] =	vst v63  }
0x1a: {  	_ =	swait.ge [sflag:s17], $0x2000  }
0x1b: {  	[sflag:s17] =	ssyncset.done $0x0  }
0x1c: {  	[sflag:s17] =	ssyncadd.s32 $0xFFFFE000  }
0x1d: {  	[spmem:s7] =	stream.linear.scatter [tilespmem:s16], [sflag:$0x1], $0x2000, $0x38;
	[tilespmem:$0x1CB00] =	vst v63  }
0x1e: {  	_ =	swait.ge [sflag:s17], $0x2000  }
0x1f: {  	[sflag:s17] =	ssyncset.done $0x0  }
0x20: {  	[sflag:s17] =	ssyncadd.s32 $0xFFFFE000  }
0x21: {  	[spmem:s8] =	stream.linear.scatter [tilespmem:s16], [sflag:$0x1], $0x2000, $0x38;
	[tilespmem:$0x1CB00] =	vst v63  }
0x22: {  	_ =	swait.ge [sflag:s17], $0x2000  }
0x23: {  	[sflag:s17] =	ssyncset.done $0x0  }
0x24: {  	[sflag:s17] =	ssyncadd.s32 $0xFFFFE000  }
0x25: {  	[spmem:s9] =	stream.linear.scatter [tilespmem:s16], [sflag:$0x1], $0x2000, $0x38;
	[tilespmem:$0x1CB00] =	vst v63  }
0x26: {  	_ =	swait.ge [sflag:s17], $0x2000  }
0x27: {  	[sflag:s17] =	ssyncset.done $0x0  }
0x28: {  	[sflag:s17] =	ssyncadd.s32 $0xFFFFE000  }
0x29: {  	[spmem:s10] =	stream.linear.scatter [tilespmem:s16], [sflag:$0x1], $0x1E00, $0x38;
	[tilespmem:$0x1CB00] =	vst v63  }
0x2a: {  	_ =	swait.ge [sflag:s17], $0x1E00  }
0x2b: {  	[sflag:s17] =	ssyncset.done $0x0  }
0x2c: {  	[sflag:s17] =	ssyncadd.s32 $0xFFFFE200  }
0x2d: {  	[spmem:s19], [sflag:s18] =	dma.local [hbm:s11], $0x13C0  }
0x2e: {  	_ =	swait.ge [sflag:s17], $0x13C0  }
0x2f: {  	[sflag:s17] =	ssyncset.done $0x0  }
0x30: {  	[sflag:s17] =	ssyncadd.s32 $0xFFFFEC40  }
0x31: {  	[tilespmem:s4], [sflag:$0x1] =	stream.linear.gather [hbm4b:s12+s4], $0x2780, $0x38;
	[tilespmem:$0x1CB00] =	vst v63  }
0x32: {  	_ =	swait.ge [sflag:s17], $0x2780  }
0x33: {  	[sflag:s17] =	ssyncset.done $0x0  }
0x34: {  	[sflag:s17] =	ssyncadd.s32 $0xFFFFD880  }
0x35: {  	[tilespmem:s20], [sflag:$0x1] =	stream.linear.gather [hbm4b:s13+s4], $0x2780, $0x38;
	[tilespmem:$0x1CB00] =	vst v63  }
0x36: {  	_ =	swait.ge [sflag:s17], $0x2780  }
0x37: {  	[sflag:s17] =	ssyncset.done $0x0  }
0x38: {  	[sflag:s17] =	ssyncadd.s32 $0xFFFFD880  }
0x39: {  	s25 =	simm.s32 $0x0;
	[bflag:$0x0] =	sbarrier.arrive $0xFFFF  }
0x3a: {  	[tilespmem:s22], [sflag:$0x1] =	stream.indirect.gather [spmem:s3], $0x40, s25, s21, $0xb8;
	[tilespmem:$0x1CB00] =	vst v63  }
0x3b: {  	_ =	swait.ge [sflag:s17], $0x2000  }
0x3c: {  	[sflag:s17] =	ssyncset.done $0x0  }
0x3d: {  	s31 =	simm.s32 $0x2780;
	[sflag:s17] =	ssyncadd.s32 $0xFFFFE000  }
0x3e: {  	[spmem:s1] =	stream.indirect.scatter.add.f32 [tilespmem:s22], [sflag:$0x1], $0x40, s31, s21, $0xb8;
	[tilespmem:$0x1CB00] =	vst v63  }
0x3f: {  	_ =	swait.ge [sflag:s17], $0x2000  }
0x40: {  	s26 =	simm.s32 $0x400;
	s25 =	simm.s32 $0x200;
	[sflag:s17] =	ssyncset.done $0x0  }
.LBB2_2:
0x41: {  	s28 =	sshra.s32 s25, $0x2  }
0x42: {  	[sflag:s17] =	ssyncadd.s32 $0xFFFFE000;
	s25 =	smov.u32 s26;
	s29 =	sadd.s32 $0x200, s26  }
0x43: {  	[tilespmem:s22], [sflag:$0x1] =	stream.indirect.gather [spmem:s3], $0x40, s28, s21, $0xb8;
	[tilespmem:$0x1CB00] =	vst v63  }
0x44: {  	p0 =	sne.s32 s26, $0x9C00;
	_ =	swait.ge [sflag:s17], $0x2000  }
.Ltmp0:
0x45: {  	[sflag:s17] =	ssyncset.done $0x0;
	(pc) =	sbr.rel @p0 .LBB2_2-.Ltmp0, $4  }
0x46: {  	s26 =	sadd.s32 $0x2780, s28;
	[sflag:s17] =	ssyncadd.s32 $0xFFFFE000  }
0x47: {  	[spmem:s1] =	stream.indirect.scatter.add.f32 [tilespmem:s22], [sflag:$0x1], $0x40, s26, s21, $0xb8;
	[tilespmem:$0x1CB00] =	vst v63  }
0x48: {  	_ =	swait.ge [sflag:s17], $0x2000  }
0x49: {  	s26 =	smov.u32 s29;
	[sflag:s17] =	ssyncset.done $0x0  }
0x4a: {  	s25 =	sshra.s32 s25, $0x2;
	[sflag:s17] =	ssyncadd.s32 $0xFFFFE000  }
0x4b: {  	[tilespmem:s22], [sflag:$0x1] =	stream.indirect.gather [spmem:s3], $0x40, s25, s21, $0xb8;
	[tilespmem:$0x1CB00] =	vst v63  }
0x4c: {  	_ =	swait.ge [sflag:s17], $0x2000  }
0x4d: {  	[sflag:s17] =	ssyncset.done $0x0  }
0x4e: {  	s25 =	sadd.s32 $0x2780, s25;
	[sflag:s17] =	ssyncadd.s32 $0xFFFFE000  }
0x4f: {  	[spmem:s1] =	stream.indirect.scatter.add.f32 [tilespmem:s22], [sflag:$0x1], $0x40, s25, s21, $0xb8;
	[tilespmem:$0x1CB00] =	vst v63  }
0x50: {  	_ =	swait.ge [sflag:s17], $0x2000  }
0x51: {  	s24 =	sadd.s32 $0x1, s24;
	[sflag:s17] =	ssyncset.done $0x0  }
0x52: {  	p0 =	sne.s32 s24, s15;
	[sflag:s17] =	ssyncadd.s32 $0xFFFFE000  }
.Ltmp1:
0x53: {  	[bflag:$0x0] =	sbarrier.arrive $0xFFFF;
	(pc) =	sbr.rel @p0 .LBB2_1-.Ltmp1, $4  }
0x54: {  	[hbm:s14], [sflag:s18] =	dma.local [spmem:s23], $0x13C0  }
0x55: {  	_ =	swait.ge [sflag:s17], $0x13C0  }
0x56: {  	[sflag:s17] =	ssyncset.done $0x0  }
0x57: {  	[sflag:s17] =	ssyncadd.s32 $0xFFFFEC40  }
0x58: {  	_ =	sfence.sel $0x180000  }
0x59: {  	[bflag:$0x0] =	sbarrier.arrive $0xFFFF  }
0x5a: {  	p0 =	sne.s32 s0, $0x0;
	_ =	strace $0x90000047  }
0x5b: {  	s0 =	sadd.s32 @!p0 $0x100000, s2;
	[bflag:$0x2] =	sbarrier.arrive $0xFFFF  }
0x5c: {  	[sflag:s0] =	ssyncadd.tile.s32 @!p0 $0x1;
	_ =	shalt  }
.Lfunc_end2:
_tile_overlayer_lowered:
.L_overlay_start_2:
0x5d: {  	(tag) =	ssettag $0x2  }
0x5e: {  	s0 =	rddreg [dreg:$0x0];
	s2 =	stileid.u32  }
0x5f: {  	s1 =	rddreg [dreg:$0x1];
	p0 =	sne.s32 s2, $0x0  }
0x60: {  	s3 =	rddreg [dreg:$0x2];
	[bflag:$0x3] =	sbarrier.arrive $0xFFFF;
	s2 =	simm.s32 @!p0 $0x1C01  }
0x61: {  	[timem:s3], [sflag:s2] =	dma.local @!p0 [hbm:s0], s1  }
0x62: {  	s0 =	simm.s32 @!p0 $0x1  }
0x63: {  	_ =	swait.ge @!p0 [sflag:s0], s1  }
0x64: {  	s1 =	ssub.s32 @!p0 $0x0, s1;
	[sflag:s0] =	ssyncset.done @!p0 $0x0  }
0x65: {  	[sflag:s0] =	ssyncadd.s32 @!p0 s1  }
0x66: {  	[bflag:$0x3] =	sbarrier.arrive $0xFFFF  }
0x67: {  	_ =	shalt  }

</sc_bundles>
